<compile_context>
chip_gen: v7x
topology: tpu7x:2x2x1
jax: 0.10.2.dev20260603
libtpu: 0.0.44.dev20260713+nightly
codegen_flags: <defaults>
</compile_context>

<pallas_src>
import functools

import jax
import jax.numpy as jnp
from jax import lax
from jax.experimental import pallas as pl
from jax.experimental.pallas import tpu as pltpu
from jax.experimental.pallas import tpu_sc as plsc

_ROWS = 64
_DIM = 64
_STRIDE = 15625
_LANES = 128
_ROWS_PER_TILE = 2
_NUM_ACTIVE = _ROWS // _ROWS_PER_TILE
_VEC = 16

_mesh = plsc.VectorSubcoreMesh(core_axis_name="c", subcore_axis_name="s")


@functools.partial(
    pl.kernel,
    out_type=jax.ShapeDtypeStruct((_ROWS * _DIM,), jnp.float32),
    mesh=_mesh,
    scratch_types=[
        pltpu.VMEM((_ROWS_PER_TILE, _DIM, _LANES), jnp.float32),
        pltpu.VMEM((_ROWS_PER_TILE * _DIM,), jnp.float32),
        pltpu.SemaphoreType.DMA,
    ],
    compiler_params=pltpu.CompilerParams(needs_layout_passes=False),
)
def _gather_cols(tt_hbm, out_hbm, blk_v, slab_v, sem):
    cid = lax.axis_index("c")
    sid = lax.axis_index("s")
    wid = sid * _mesh.num_cores + cid
    base = wid * _ROWS_PER_TILE

    def block_start(k):
        col = (base + k) * _STRIDE
        start = pl.multiple_of((col // _LANES) * _LANES, _LANES)
        return col, start

    for k in range(_ROWS_PER_TILE):
        _, start = block_start(k)
        pltpu.async_copy(tt_hbm.at[:, pl.ds(start, _LANES)], blk_v.at[k], sem)
    for k in range(_ROWS_PER_TILE):
        _, start = block_start(k)
        pltpu.make_async_copy(
            tt_hbm.at[:, pl.ds(start, _LANES)], blk_v.at[k], sem
        ).wait()
    for k in range(_ROWS_PER_TILE):
        col, start = block_start(k)
        lane_vec = jnp.full((_VEC,), col - start, dtype=jnp.int32)
        for g in range(_DIM // _VEC):
            feat = lax.iota(jnp.int32, _VEC) + g * _VEC
            vals = plsc.load_gather(blk_v.at[k], [feat, lane_vec])
            slab_v[pl.ds(k * _DIM + g * _VEC, _VEC)] = vals
    pltpu.sync_copy(
        slab_v, out_hbm.at[pl.ds(base * _DIM, _ROWS_PER_TILE * _DIM)]
    )


def kernel(table):
    return _gather_cols(table.T).reshape(_ROWS, _DIM)

# --- scband reference (transcript-rebuilt; emitter-appended) ---
"""Pipeline reference for scband-indexing-operation-tensors-1194000908611 (READ-ONLY COPY).

The authoritative reference and input builder live on the scoring server;
editing this copy changes nothing except your own understanding.
"""

import jax, jax.numpy as jnp
import numpy as np

_IDX = np.arange(64, dtype=np.int64) * 15625  # matches init_kwargs indices buffer


def setup_inputs(seed: int = 0) -> dict:
    key = jax.random.key(seed)
    table = jax.random.normal(key, (1000000, 64), dtype=jnp.float32)
    return {"table": table}


def reference(table):
    # torch.index_select(t, dim=0, idx) on tmp['table']; module writes tmp['result0']
    idx = jnp.asarray(_IDX, dtype=jnp.int32)
    return jnp.take(table, idx, axis=0)

if __name__ == "__main__":
    import jax
    _d = setup_inputs()
    print(jax.jit(kernel)(*tuple(_d.values())))

</pallas_src>

<mosaic_0001>
#map = affine_map<(d0, d1) -> (0, 0)>
#map1 = affine_map<(d0, d1) -> (0)>
module attributes {stable_mosaic.version = 14 : i64} {
  func.func @_gather_cols(%arg0: i32, %arg1: i32, %arg2: memref<64x1000000xf32, #tpu.memory_space<hbm>>, %arg3: memref<4096xf32, #tpu.memory_space<hbm>>, %arg4: memref<2x64x128xf32, #tpu.memory_space<vmem>>, %arg5: memref<128xf32, #tpu.memory_space<vmem>>, %arg6: memref<!tpu.dma_semaphore, #tpu.memory_space<semaphore_mem>>) attributes {dimension_semantics = [#tpu.dimension_semantics<core_parallel>, #tpu.dimension_semantics<subcore_parallel>], iteration_bounds = array<i64: 2, 16>, scalar_prefetch = 0 : i64, scratch_operands = 3 : i64, tpu.core_type = #tpu.core_type<sc_vector_subcore>, window_params = [{transform_indices = #map}, {transform_indices = #map1}]} {
    %mul3A = arith.constant 2 : i32
    %mul3A_0 = arith.muli %arg1, %mul3A : i32
    %add3A = arith.addi %mul3A_0, %arg0 : i32
    %mul3A_1 = arith.constant 2 : i32
    %mul3A_2 = arith.muli %add3A, %mul3A_1 : i32
    %add3A_3 = arith.constant 0 : i32
    %add3A_4 = arith.addi %mul3A_2, %add3A_3 : i32
    %mul3A_5 = arith.constant 15625 : i32
    %mul3A_6 = arith.muli %add3A_4, %mul3A_5 : i32
    %jit3A = arith.constant 128 : i32
    %div3A = arith.divsi %mul3A_6, %jit3A : i32
    %sign3A = arith.constant 0 : i32
    %sign3A_7 = arith.cmpi sgt, %mul3A_6, %sign3A : i32
    %sign3A_8 = arith.extui %sign3A_7 : i1 to i32
    %sign3A_9 = arith.constant 0 : i32
    %sign3A_10 = arith.cmpi slt, %mul3A_6, %sign3A_9 : i32
    %sign3A_11 = arith.extui %sign3A_10 : i1 to i32
    %sign3A_12 = arith.subi %sign3A_8, %sign3A_11 : i32
    %sign3A_13 = arith.constant 0 : i32
    %sign3A_14 = arith.cmpi sgt, %jit3A, %sign3A_13 : i32
    %sign3A_15 = arith.extui %sign3A_14 : i1 to i32
    %sign3A_16 = arith.constant 0 : i32
    %sign3A_17 = arith.cmpi slt, %jit3A, %sign3A_16 : i32
    %sign3A_18 = arith.extui %sign3A_17 : i1 to i32
    %sign3A_19 = arith.subi %sign3A_15, %sign3A_18 : i32
    %ne3A = arith.cmpi ne, %sign3A_12, %sign3A_19 : i32
    %rem3A = arith.remsi %mul3A_6, %jit3A : i32
    %ne3A_20 = arith.constant 0 : i32
    %ne3A_21 = arith.cmpi ne, %rem3A, %ne3A_20 : i32
    %and3A = arith.andi %ne3A, %ne3A_21 : i1
    %sub3A = arith.constant 1 : i32
    %sub3A_22 = arith.subi %div3A, %sub3A : i32
    %select_n3A = arith.select %and3A, %sub3A_22, %div3A : i32
    %mul3A_23 = arith.constant 128 : i32
    %mul3A_24 = arith.muli %select_n3A, %mul3A_23 : i32
    %multiple_of3A = tpu.assume_multiple %mul3A_24, 128 : i32
    %dma_start3A = arith.constant 0 : i32
    %dma_start3A_25 = arith.constant 0 : i32
    %dma_start3A_26 = arith.constant 0 : i32
    %dma_start3A_27 = tpu.memref_slice %arg4[%dma_start3A, %dma_start3A_25, %dma_start3A_26] : memref<2x64x128xf32, #tpu.memory_space<vmem>> -> memref<1x64x128xf32, #tpu.memory_space<vmem>>
    %dma_start3A_28 = tpu.memref_squeeze %dma_start3A_27 : memref<1x64x128xf32, #tpu.memory_space<vmem>> -> memref<64x128xf32, #tpu.memory_space<vmem>>
    %dma_start3A_29 = arith.constant 0 : i32
    %dma_start3A_30 = tpu.memref_slice %arg2[%dma_start3A_29, %multiple_of3A] : memref<64x1000000xf32, #tpu.memory_space<hbm>> -> memref<64x128xf32, #tpu.memory_space<hbm>>
    %dma_start3A_31 = arith.constant 0 : i32
    %dma_start3A_32 = arith.constant 0 : i32
    %dma_start3A_33 = tpu.memref_slice %arg4[%dma_start3A, %dma_start3A_31, %dma_start3A_32] : memref<2x64x128xf32, #tpu.memory_space<vmem>> -> memref<1x64x128xf32, #tpu.memory_space<vmem>>
    %dma_start3A_34 = tpu.memref_squeeze %dma_start3A_33 : memref<1x64x128xf32, #tpu.memory_space<vmem>> -> memref<64x128xf32, #tpu.memory_space<vmem>>
    %dma_start3A_35 = arith.constant 0 : i32
    %dma_start3A_36 = tpu.memref_slice %arg2[%dma_start3A_35, %multiple_of3A] : memref<64x1000000xf32, #tpu.memory_space<hbm>> -> memref<64x128xf32, #tpu.memory_space<hbm>>
    tpu.enqueue_dma source(%dma_start3A_36 : memref<64x128xf32, #tpu.memory_space<hbm>>) target(%dma_start3A_34 : memref<64x128xf32, #tpu.memory_space<vmem>>) target_semaphore(%arg6 : memref<!tpu.dma_semaphore, #tpu.memory_space<semaphore_mem>>)
    %add3A_37 = arith.constant 1 : i32
    %add3A_38 = arith.addi %mul3A_2, %add3A_37 : i32
    %mul3A_39 = arith.constant 15625 : i32
    %mul3A_40 = arith.muli %add3A_38, %mul3A_39 : i32
    %jit3A_41 = arith.constant 128 : i32
    %div3A_42 = arith.divsi %mul3A_40, %jit3A_41 : i32
    %sign3A_43 = arith.constant 0 : i32
    %sign3A_44 = arith.cmpi sgt, %mul3A_40, %sign3A_43 : i32
    %sign3A_45 = arith.extui %sign3A_44 : i1 to i32
    %sign3A_46 = arith.constant 0 : i32
    %sign3A_47 = arith.cmpi slt, %mul3A_40, %sign3A_46 : i32
    %sign3A_48 = arith.extui %sign3A_47 : i1 to i32
    %sign3A_49 = arith.subi %sign3A_45, %sign3A_48 : i32
    %sign3A_50 = arith.constant 0 : i32
    %sign3A_51 = arith.cmpi sgt, %jit3A_41, %sign3A_50 : i32
    %sign3A_52 = arith.extui %sign3A_51 : i1 to i32
    %sign3A_53 = arith.constant 0 : i32
    %sign3A_54 = arith.cmpi slt, %jit3A_41, %sign3A_53 : i32
    %sign3A_55 = arith.extui %sign3A_54 : i1 to i32
    %sign3A_56 = arith.subi %sign3A_52, %sign3A_55 : i32
    %ne3A_57 = arith.cmpi ne, %sign3A_49, %sign3A_56 : i32
    %rem3A_58 = arith.remsi %mul3A_40, %jit3A_41 : i32
    %ne3A_59 = arith.constant 0 : i32
    %ne3A_60 = arith.cmpi ne, %rem3A_58, %ne3A_59 : i32
    %and3A_61 = arith.andi %ne3A_57, %ne3A_60 : i1
    %sub3A_62 = arith.constant 1 : i32
    %sub3A_63 = arith.subi %div3A_42, %sub3A_62 : i32
    %select_n3A_64 = arith.select %and3A_61, %sub3A_63, %div3A_42 : i32
    %mul3A_65 = arith.constant 128 : i32
    %mul3A_66 = arith.muli %select_n3A_64, %mul3A_65 : i32
    %multiple_of3A_67 = tpu.assume_multiple %mul3A_66, 128 : i32
    %dma_start3A_68 = arith.constant 1 : i32
    %dma_start3A_69 = arith.constant 0 : i32
    %dma_start3A_70 = arith.constant 0 : i32
    %dma_start3A_71 = tpu.memref_slice %arg4[%dma_start3A_68, %dma_start3A_69, %dma_start3A_70] : memref<2x64x128xf32, #tpu.memory_space<vmem>> -> memref<1x64x128xf32, #tpu.memory_space<vmem>>
    %dma_start3A_72 = tpu.memref_squeeze %dma_start3A_71 : memref<1x64x128xf32, #tpu.memory_space<vmem>> -> memref<64x128xf32, #tpu.memory_space<vmem>>
    %dma_start3A_73 = arith.constant 0 : i32
    %dma_start3A_74 = tpu.memref_slice %arg2[%dma_start3A_73, %multiple_of3A_67] : memref<64x1000000xf32, #tpu.memory_space<hbm>> -> memref<64x128xf32, #tpu.memory_space<hbm>>
    %dma_start3A_75 = arith.constant 0 : i32
    %dma_start3A_76 = arith.constant 0 : i32
    %dma_start3A_77 = tpu.memref_slice %arg4[%dma_start3A_68, %dma_start3A_75, %dma_start3A_76] : memref<2x64x128xf32, #tpu.memory_space<vmem>> -> memref<1x64x128xf32, #tpu.memory_space<vmem>>
    %dma_start3A_78 = tpu.memref_squeeze %dma_start3A_77 : memref<1x64x128xf32, #tpu.memory_space<vmem>> -> memref<64x128xf32, #tpu.memory_space<vmem>>
    %dma_start3A_79 = arith.constant 0 : i32
    %dma_start3A_80 = tpu.memref_slice %arg2[%dma_start3A_79, %multiple_of3A_67] : memref<64x1000000xf32, #tpu.memory_space<hbm>> -> memref<64x128xf32, #tpu.memory_space<hbm>>
    tpu.enqueue_dma source(%dma_start3A_80 : memref<64x128xf32, #tpu.memory_space<hbm>>) target(%dma_start3A_78 : memref<64x128xf32, #tpu.memory_space<vmem>>) target_semaphore(%arg6 : memref<!tpu.dma_semaphore, #tpu.memory_space<semaphore_mem>>)
    %add3A_81 = arith.constant 0 : i32
    %add3A_82 = arith.addi %mul3A_2, %add3A_81 : i32
    %mul3A_83 = arith.constant 15625 : i32
    %mul3A_84 = arith.muli %add3A_82, %mul3A_83 : i32
    %jit3A_85 = arith.constant 128 : i32
    %div3A_86 = arith.divsi %mul3A_84, %jit3A_85 : i32
    %sign3A_87 = arith.constant 0 : i32
    %sign3A_88 = arith.cmpi sgt, %mul3A_84, %sign3A_87 : i32
    %sign3A_89 = arith.extui %sign3A_88 : i1 to i32
    %sign3A_90 = arith.constant 0 : i32
    %sign3A_91 = arith.cmpi slt, %mul3A_84, %sign3A_90 : i32
    %sign3A_92 = arith.extui %sign3A_91 : i1 to i32
    %sign3A_93 = arith.subi %sign3A_89, %sign3A_92 : i32
    %sign3A_94 = arith.constant 0 : i32
    %sign3A_95 = arith.cmpi sgt, %jit3A_85, %sign3A_94 : i32
    %sign3A_96 = arith.extui %sign3A_95 : i1 to i32
    %sign3A_97 = arith.constant 0 : i32
    %sign3A_98 = arith.cmpi slt, %jit3A_85, %sign3A_97 : i32
    %sign3A_99 = arith.extui %sign3A_98 : i1 to i32
    %sign3A_100 = arith.subi %sign3A_96, %sign3A_99 : i32
    %ne3A_101 = arith.cmpi ne, %sign3A_93, %sign3A_100 : i32
    %rem3A_102 = arith.remsi %mul3A_84, %jit3A_85 : i32
    %ne3A_103 = arith.constant 0 : i32
    %ne3A_104 = arith.cmpi ne, %rem3A_102, %ne3A_103 : i32
    %and3A_105 = arith.andi %ne3A_101, %ne3A_104 : i1
    %sub3A_106 = arith.constant 1 : i32
    %sub3A_107 = arith.subi %div3A_86, %sub3A_106 : i32
    %select_n3A_108 = arith.select %and3A_105, %sub3A_107, %div3A_86 : i32
    %mul3A_109 = arith.constant 128 : i32
    %mul3A_110 = arith.muli %select_n3A_108, %mul3A_109 : i32
    %multiple_of3A_111 = tpu.assume_multiple %mul3A_110, 128 : i32
    %dma_wait3A = arith.constant 0 : i32
    %dma_wait3A_112 = arith.constant 0 : i32
    %dma_wait3A_113 = arith.constant 0 : i32
    %dma_wait3A_114 = tpu.memref_slice %arg4[%dma_wait3A, %dma_wait3A_112, %dma_wait3A_113] : memref<2x64x128xf32, #tpu.memory_space<vmem>> -> memref<1x64x128xf32, #tpu.memory_space<vmem>>
    %dma_wait3A_115 = tpu.memref_squeeze %dma_wait3A_114 : memref<1x64x128xf32, #tpu.memory_space<vmem>> -> memref<64x128xf32, #tpu.memory_space<vmem>>
    %dma_wait3A_116 = arith.constant 0 : i32
    %dma_wait3A_117 = tpu.memref_slice %arg2[%dma_wait3A_116, %multiple_of3A_111] : memref<64x1000000xf32, #tpu.memory_space<hbm>> -> memref<64x128xf32, #tpu.memory_space<hbm>>
    %dma_wait3A_118 = arith.constant 0 : i32
    %dma_wait3A_119 = arith.constant 0 : i32
    %dma_wait3A_120 = tpu.memref_slice %arg4[%dma_wait3A, %dma_wait3A_118, %dma_wait3A_119] : memref<2x64x128xf32, #tpu.memory_space<vmem>> -> memref<1x64x128xf32, #tpu.memory_space<vmem>>
    %dma_wait3A_121 = tpu.memref_squeeze %dma_wait3A_120 : memref<1x64x128xf32, #tpu.memory_space<vmem>> -> memref<64x128xf32, #tpu.memory_space<vmem>>
    %dma_wait3A_122 = arith.constant 0 : i32
    %dma_wait3A_123 = tpu.memref_slice %arg2[%dma_wait3A_122, %multiple_of3A_111] : memref<64x1000000xf32, #tpu.memory_space<hbm>> -> memref<64x128xf32, #tpu.memory_space<hbm>>
    tpu.wait_dma2 semaphore(%arg6 : memref<!tpu.dma_semaphore, #tpu.memory_space<semaphore_mem>>) src(%dma_wait3A_123 : memref<64x128xf32, #tpu.memory_space<hbm>>) dst(%dma_wait3A_121 : memref<64x128xf32, #tpu.memory_space<vmem>>)
    %add3A_124 = arith.constant 1 : i32
    %add3A_125 = arith.addi %mul3A_2, %add3A_124 : i32
    %mul3A_126 = arith.constant 15625 : i32
    %mul3A_127 = arith.muli %add3A_125, %mul3A_126 : i32
    %jit3A_128 = arith.constant 128 : i32
    %div3A_129 = arith.divsi %mul3A_127, %jit3A_128 : i32
    %sign3A_130 = arith.constant 0 : i32
    %sign3A_131 = arith.cmpi sgt, %mul3A_127, %sign3A_130 : i32
    %sign3A_132 = arith.extui %sign3A_131 : i1 to i32
    %sign3A_133 = arith.constant 0 : i32
    %sign3A_134 = arith.cmpi slt, %mul3A_127, %sign3A_133 : i32
    %sign3A_135 = arith.extui %sign3A_134 : i1 to i32
    %sign3A_136 = arith.subi %sign3A_132, %sign3A_135 : i32
    %sign3A_137 = arith.constant 0 : i32
    %sign3A_138 = arith.cmpi sgt, %jit3A_128, %sign3A_137 : i32
    %sign3A_139 = arith.extui %sign3A_138 : i1 to i32
    %sign3A_140 = arith.constant 0 : i32
    %sign3A_141 = arith.cmpi slt, %jit3A_128, %sign3A_140 : i32
    %sign3A_142 = arith.extui %sign3A_141 : i1 to i32
    %sign3A_143 = arith.subi %sign3A_139, %sign3A_142 : i32
    %ne3A_144 = arith.cmpi ne, %sign3A_136, %sign3A_143 : i32
    %rem3A_145 = arith.remsi %mul3A_127, %jit3A_128 : i32
    %ne3A_146 = arith.constant 0 : i32
    %ne3A_147 = arith.cmpi ne, %rem3A_145, %ne3A_146 : i32
    %and3A_148 = arith.andi %ne3A_144, %ne3A_147 : i1
    %sub3A_149 = arith.constant 1 : i32
    %sub3A_150 = arith.subi %div3A_129, %sub3A_149 : i32
    %select_n3A_151 = arith.select %and3A_148, %sub3A_150, %div3A_129 : i32
    %mul3A_152 = arith.constant 128 : i32
    %mul3A_153 = arith.muli %select_n3A_151, %mul3A_152 : i32
    %multiple_of3A_154 = tpu.assume_multiple %mul3A_153, 128 : i32
    %dma_wait3A_155 = arith.constant 1 : i32
    %dma_wait3A_156 = arith.constant 0 : i32
    %dma_wait3A_157 = arith.constant 0 : i32
    %dma_wait3A_158 = tpu.memref_slice %arg4[%dma_wait3A_155, %dma_wait3A_156, %dma_wait3A_157] : memref<2x64x128xf32, #tpu.memory_space<vmem>> -> memref<1x64x128xf32, #tpu.memory_space<vmem>>
    %dma_wait3A_159 = tpu.memref_squeeze %dma_wait3A_158 : memref<1x64x128xf32, #tpu.memory_space<vmem>> -> memref<64x128xf32, #tpu.memory_space<vmem>>
    %dma_wait3A_160 = arith.constant 0 : i32
    %dma_wait3A_161 = tpu.memref_slice %arg2[%dma_wait3A_160, %multiple_of3A_154] : memref<64x1000000xf32, #tpu.memory_space<hbm>> -> memref<64x128xf32, #tpu.memory_space<hbm>>
    %dma_wait3A_162 = arith.constant 0 : i32
    %dma_wait3A_163 = arith.constant 0 : i32
    %dma_wait3A_164 = tpu.memref_slice %arg4[%dma_wait3A_155, %dma_wait3A_162, %dma_wait3A_163] : memref<2x64x128xf32, #tpu.memory_space<vmem>> -> memref<1x64x128xf32, #tpu.memory_space<vmem>>
    %dma_wait3A_165 = tpu.memref_squeeze %dma_wait3A_164 : memref<1x64x128xf32, #tpu.memory_space<vmem>> -> memref<64x128xf32, #tpu.memory_space<vmem>>
    %dma_wait3A_166 = arith.constant 0 : i32
    %dma_wait3A_167 = tpu.memref_slice %arg2[%dma_wait3A_166, %multiple_of3A_154] : memref<64x1000000xf32, #tpu.memory_space<hbm>> -> memref<64x128xf32, #tpu.memory_space<hbm>>
    tpu.wait_dma2 semaphore(%arg6 : memref<!tpu.dma_semaphore, #tpu.memory_space<semaphore_mem>>) src(%dma_wait3A_167 : memref<64x128xf32, #tpu.memory_space<hbm>>) dst(%dma_wait3A_165 : memref<64x128xf32, #tpu.memory_space<vmem>>)
    %add3A_168 = arith.constant 0 : i32
    %add3A_169 = arith.addi %mul3A_2, %add3A_168 : i32
    %mul3A_170 = arith.constant 15625 : i32
    %mul3A_171 = arith.muli %add3A_169, %mul3A_170 : i32
    %jit3A_172 = arith.constant 128 : i32
    %div3A_173 = arith.divsi %mul3A_171, %jit3A_172 : i32
    %sign3A_174 = arith.constant 0 : i32
    %sign3A_175 = arith.cmpi sgt, %mul3A_171, %sign3A_174 : i32
    %sign3A_176 = arith.extui %sign3A_175 : i1 to i32
    %sign3A_177 = arith.constant 0 : i32
    %sign3A_178 = arith.cmpi slt, %mul3A_171, %sign3A_177 : i32
    %sign3A_179 = arith.extui %sign3A_178 : i1 to i32
    %sign3A_180 = arith.subi %sign3A_176, %sign3A_179 : i32
    %sign3A_181 = arith.constant 0 : i32
    %sign3A_182 = arith.cmpi sgt, %jit3A_172, %sign3A_181 : i32
    %sign3A_183 = arith.extui %sign3A_182 : i1 to i32
    %sign3A_184 = arith.constant 0 : i32
    %sign3A_185 = arith.cmpi slt, %jit3A_172, %sign3A_184 : i32
    %sign3A_186 = arith.extui %sign3A_185 : i1 to i32
    %sign3A_187 = arith.subi %sign3A_183, %sign3A_186 : i32
    %ne3A_188 = arith.cmpi ne, %sign3A_180, %sign3A_187 : i32
    %rem3A_189 = arith.remsi %mul3A_171, %jit3A_172 : i32
    %ne3A_190 = arith.constant 0 : i32
    %ne3A_191 = arith.cmpi ne, %rem3A_189, %ne3A_190 : i32
    %and3A_192 = arith.andi %ne3A_188, %ne3A_191 : i1
    %sub3A_193 = arith.constant 1 : i32
    %sub3A_194 = arith.subi %div3A_173, %sub3A_193 : i32
    %select_n3A_195 = arith.select %and3A_192, %sub3A_194, %div3A_173 : i32
    %mul3A_196 = arith.constant 128 : i32
    %mul3A_197 = arith.muli %select_n3A_195, %mul3A_196 : i32
    %multiple_of3A_198 = tpu.assume_multiple %mul3A_197, 128 : i32
    %sub3A_199 = arith.subi %mul3A_171, %multiple_of3A_198 : i32
    %broadcast_in_dim3A = vector.broadcast %sub3A_199 : i32 to vector<16xi32>
    %iota3A = tpu.iota {dimensions = array<i32: 0>} : vector<16xi32>
    %add3A_200 = arith.constant 0 : i32
    %add3A_201 = vector.broadcast %add3A_200 : i32 to vector<16xi32>
    %add3A_202 = arith.addi %iota3A, %add3A_201 : vector<16xi32>
    %gather3A = arith.constant 0 : i32
    %gather3A_203 = arith.constant 0 : i32
    %gather3A_204 = arith.constant 0 : i32
    %gather3A_205 = tpu.memref_slice %arg4[%gather3A, %gather3A_203, %gather3A_204] : memref<2x64x128xf32, #tpu.memory_space<vmem>> -> memref<1x64x128xf32, #tpu.memory_space<vmem>>
    %gather3A_206 = tpu.memref_squeeze %gather3A_205 : memref<1x64x128xf32, #tpu.memory_space<vmem>> -> memref<64x128xf32, #tpu.memory_space<vmem>>
    %gather3A_207 = tpu.vector_load_idx %gather3A_206[%add3A_202, %broadcast_in_dim3A] : memref<64x128xf32, #tpu.memory_space<vmem>>[vector<16xi32>, vector<16xi32>], vector<16xf32>,
    %swap3A = arith.constant 0 : index
    %swap3A_208 = tpu.vector_load %arg5[%swap3A] {strides = array<i32>} : memref<128xf32, #tpu.memory_space<vmem>>, vector<16xf32>,
    tpu.vector_store %arg5[%swap3A], %gather3A_207 {strides = array<i32>} : memref<128xf32, #tpu.memory_space<vmem>>, vector<16xf32>,
    %iota3A_209 = tpu.iota {dimensions = array<i32: 0>} : vector<16xi32>
    %add3A_210 = arith.constant 16 : i32
    %add3A_211 = vector.broadcast %add3A_210 : i32 to vector<16xi32>
    %add3A_212 = arith.addi %iota3A_209, %add3A_211 : vector<16xi32>
    %gather3A_213 = arith.constant 0 : i32
    %gather3A_214 = arith.constant 0 : i32
    %gather3A_215 = arith.constant 0 : i32
    %gather3A_216 = tpu.memref_slice %arg4[%gather3A_213, %gather3A_214, %gather3A_215] : memref<2x64x128xf32, #tpu.memory_space<vmem>> -> memref<1x64x128xf32, #tpu.memory_space<vmem>>
    %gather3A_217 = tpu.memref_squeeze %gather3A_216 : memref<1x64x128xf32, #tpu.memory_space<vmem>> -> memref<64x128xf32, #tpu.memory_space<vmem>>
    %gather3A_218 = tpu.vector_load_idx %gather3A_217[%add3A_212, %broadcast_in_dim3A] : memref<64x128xf32, #tpu.memory_space<vmem>>[vector<16xi32>, vector<16xi32>], vector<16xf32>,
    %swap3A_219 = arith.constant 16 : index
    %swap3A_220 = tpu.vector_load %arg5[%swap3A_219] {strides = array<i32>} : memref<128xf32, #tpu.memory_space<vmem>>, vector<16xf32>,
    tpu.vector_store %arg5[%swap3A_219], %gather3A_218 {strides = array<i32>} : memref<128xf32, #tpu.memory_space<vmem>>, vector<16xf32>,
    %iota3A_221 = tpu.iota {dimensions = array<i32: 0>} : vector<16xi32>
    %add3A_222 = arith.constant 32 : i32
    %add3A_223 = vector.broadcast %add3A_222 : i32 to vector<16xi32>
    %add3A_224 = arith.addi %iota3A_221, %add3A_223 : vector<16xi32>
    %gather3A_225 = arith.constant 0 : i32
    %gather3A_226 = arith.constant 0 : i32
    %gather3A_227 = arith.constant 0 : i32
    %gather3A_228 = tpu.memref_slice %arg4[%gather3A_225, %gather3A_226, %gather3A_227] : memref<2x64x128xf32, #tpu.memory_space<vmem>> -> memref<1x64x128xf32, #tpu.memory_space<vmem>>
    %gather3A_229 = tpu.memref_squeeze %gather3A_228 : memref<1x64x128xf32, #tpu.memory_space<vmem>> -> memref<64x128xf32, #tpu.memory_space<vmem>>
    %gather3A_230 = tpu.vector_load_idx %gather3A_229[%add3A_224, %broadcast_in_dim3A] : memref<64x128xf32, #tpu.memory_space<vmem>>[vector<16xi32>, vector<16xi32>], vector<16xf32>,
    %swap3A_231 = arith.constant 32 : index
    %swap3A_232 = tpu.vector_load %arg5[%swap3A_231] {strides = array<i32>} : memref<128xf32, #tpu.memory_space<vmem>>, vector<16xf32>,
    tpu.vector_store %arg5[%swap3A_231], %gather3A_230 {strides = array<i32>} : memref<128xf32, #tpu.memory_space<vmem>>, vector<16xf32>,
    %iota3A_233 = tpu.iota {dimensions = array<i32: 0>} : vector<16xi32>
    %add3A_234 = arith.constant 48 : i32
    %add3A_235 = vector.broadcast %add3A_234 : i32 to vector<16xi32>
    %add3A_236 = arith.addi %iota3A_233, %add3A_235 : vector<16xi32>
    %gather3A_237 = arith.constant 0 : i32
    %gather3A_238 = arith.constant 0 : i32
    %gather3A_239 = arith.constant 0 : i32
    %gather3A_240 = tpu.memref_slice %arg4[%gather3A_237, %gather3A_238, %gather3A_239] : memref<2x64x128xf32, #tpu.memory_space<vmem>> -> memref<1x64x128xf32, #tpu.memory_space<vmem>>
    %gather3A_241 = tpu.memref_squeeze %gather3A_240 : memref<1x64x128xf32, #tpu.memory_space<vmem>> -> memref<64x128xf32, #tpu.memory_space<vmem>>
    %gather3A_242 = tpu.vector_load_idx %gather3A_241[%add3A_236, %broadcast_in_dim3A] : memref<64x128xf32, #tpu.memory_space<vmem>>[vector<16xi32>, vector<16xi32>], vector<16xf32>,
    %swap3A_243 = arith.constant 48 : index
    %swap3A_244 = tpu.vector_load %arg5[%swap3A_243] {strides = array<i32>} : memref<128xf32, #tpu.memory_space<vmem>>, vector<16xf32>,
    tpu.vector_store %arg5[%swap3A_243], %gather3A_242 {strides = array<i32>} : memref<128xf32, #tpu.memory_space<vmem>>, vector<16xf32>,
    %add3A_245 = arith.constant 1 : i32
    %add3A_246 = arith.addi %mul3A_2, %add3A_245 : i32
    %mul3A_247 = arith.constant 15625 : i32
    %mul3A_248 = arith.muli %add3A_246, %mul3A_247 : i32
    %jit3A_249 = arith.constant 128 : i32
    %div3A_250 = arith.divsi %mul3A_248, %jit3A_249 : i32
    %sign3A_251 = arith.constant 0 : i32
    %sign3A_252 = arith.cmpi sgt, %mul3A_248, %sign3A_251 : i32
    %sign3A_253 = arith.extui %sign3A_252 : i1 to i32
    %sign3A_254 = arith.constant 0 : i32
    %sign3A_255 = arith.cmpi slt, %mul3A_248, %sign3A_254 : i32
    %sign3A_256 = arith.extui %sign3A_255 : i1 to i32
    %sign3A_257 = arith.subi %sign3A_253, %sign3A_256 : i32
    %sign3A_258 = arith.constant 0 : i32
    %sign3A_259 = arith.cmpi sgt, %jit3A_249, %sign3A_258 : i32
    %sign3A_260 = arith.extui %sign3A_259 : i1 to i32
    %sign3A_261 = arith.constant 0 : i32
    %sign3A_262 = arith.cmpi slt, %jit3A_249, %sign3A_261 : i32
    %sign3A_263 = arith.extui %sign3A_262 : i1 to i32
    %sign3A_264 = arith.subi %sign3A_260, %sign3A_263 : i32
    %ne3A_265 = arith.cmpi ne, %sign3A_257, %sign3A_264 : i32
    %rem3A_266 = arith.remsi %mul3A_248, %jit3A_249 : i32
    %ne3A_267 = arith.constant 0 : i32
    %ne3A_268 = arith.cmpi ne, %rem3A_266, %ne3A_267 : i32
    %and3A_269 = arith.andi %ne3A_265, %ne3A_268 : i1
    %sub3A_270 = arith.constant 1 : i32
    %sub3A_271 = arith.subi %div3A_250, %sub3A_270 : i32
    %select_n3A_272 = arith.select %and3A_269, %sub3A_271, %div3A_250 : i32
    %mul3A_273 = arith.constant 128 : i32
    %mul3A_274 = arith.muli %select_n3A_272, %mul3A_273 : i32
    %multiple_of3A_275 = tpu.assume_multiple %mul3A_274, 128 : i32
    %sub3A_276 = arith.subi %mul3A_248, %multiple_of3A_275 : i32
    %broadcast_in_dim3A_277 = vector.broadcast %sub3A_276 : i32 to vector<16xi32>
    %iota3A_278 = tpu.iota {dimensions = array<i32: 0>} : vector<16xi32>
    %add3A_279 = arith.constant 0 : i32
    %add3A_280 = vector.broadcast %add3A_279 : i32 to vector<16xi32>
    %add3A_281 = arith.addi %iota3A_278, %add3A_280 : vector<16xi32>
    %gather3A_282 = arith.constant 1 : i32
    %gather3A_283 = arith.constant 0 : i32
    %gather3A_284 = arith.constant 0 : i32
    %gather3A_285 = tpu.memref_slice %arg4[%gather3A_282, %gather3A_283, %gather3A_284] : memref<2x64x128xf32, #tpu.memory_space<vmem>> -> memref<1x64x128xf32, #tpu.memory_space<vmem>>
    %gather3A_286 = tpu.memref_squeeze %gather3A_285 : memref<1x64x128xf32, #tpu.memory_space<vmem>> -> memref<64x128xf32, #tpu.memory_space<vmem>>
    %gather3A_287 = tpu.vector_load_idx %gather3A_286[%add3A_281, %broadcast_in_dim3A_277] : memref<64x128xf32, #tpu.memory_space<vmem>>[vector<16xi32>, vector<16xi32>], vector<16xf32>,
    %swap3A_288 = arith.constant 64 : index
    %swap3A_289 = tpu.vector_load %arg5[%swap3A_288] {strides = array<i32>} : memref<128xf32, #tpu.memory_space<vmem>>, vector<16xf32>,
    tpu.vector_store %arg5[%swap3A_288], %gather3A_287 {strides = array<i32>} : memref<128xf32, #tpu.memory_space<vmem>>, vector<16xf32>,
    %iota3A_290 = tpu.iota {dimensions = array<i32: 0>} : vector<16xi32>
    %add3A_291 = arith.constant 16 : i32
    %add3A_292 = vector.broadcast %add3A_291 : i32 to vector<16xi32>
    %add3A_293 = arith.addi %iota3A_290, %add3A_292 : vector<16xi32>
    %gather3A_294 = arith.constant 1 : i32
    %gather3A_295 = arith.constant 0 : i32
    %gather3A_296 = arith.constant 0 : i32
    %gather3A_297 = tpu.memref_slice %arg4[%gather3A_294, %gather3A_295, %gather3A_296] : memref<2x64x128xf32, #tpu.memory_space<vmem>> -> memref<1x64x128xf32, #tpu.memory_space<vmem>>
    %gather3A_298 = tpu.memref_squeeze %gather3A_297 : memref<1x64x128xf32, #tpu.memory_space<vmem>> -> memref<64x128xf32, #tpu.memory_space<vmem>>
    %gather3A_299 = tpu.vector_load_idx %gather3A_298[%add3A_293, %broadcast_in_dim3A_277] : memref<64x128xf32, #tpu.memory_space<vmem>>[vector<16xi32>, vector<16xi32>], vector<16xf32>,
    %swap3A_300 = arith.constant 80 : index
    %swap3A_301 = tpu.vector_load %arg5[%swap3A_300] {strides = array<i32>} : memref<128xf32, #tpu.memory_space<vmem>>, vector<16xf32>,
    tpu.vector_store %arg5[%swap3A_300], %gather3A_299 {strides = array<i32>} : memref<128xf32, #tpu.memory_space<vmem>>, vector<16xf32>,
    %iota3A_302 = tpu.iota {dimensions = array<i32: 0>} : vector<16xi32>
    %add3A_303 = arith.constant 32 : i32
    %add3A_304 = vector.broadcast %add3A_303 : i32 to vector<16xi32>
    %add3A_305 = arith.addi %iota3A_302, %add3A_304 : vector<16xi32>
    %gather3A_306 = arith.constant 1 : i32
    %gather3A_307 = arith.constant 0 : i32
    %gather3A_308 = arith.constant 0 : i32
    %gather3A_309 = tpu.memref_slice %arg4[%gather3A_306, %gather3A_307, %gather3A_308] : memref<2x64x128xf32, #tpu.memory_space<vmem>> -> memref<1x64x128xf32, #tpu.memory_space<vmem>>
    %gather3A_310 = tpu.memref_squeeze %gather3A_309 : memref<1x64x128xf32, #tpu.memory_space<vmem>> -> memref<64x128xf32, #tpu.memory_space<vmem>>
    %gather3A_311 = tpu.vector_load_idx %gather3A_310[%add3A_305, %broadcast_in_dim3A_277] : memref<64x128xf32, #tpu.memory_space<vmem>>[vector<16xi32>, vector<16xi32>], vector<16xf32>,
    %swap3A_312 = arith.constant 96 : index
    %swap3A_313 = tpu.vector_load %arg5[%swap3A_312] {strides = array<i32>} : memref<128xf32, #tpu.memory_space<vmem>>, vector<16xf32>,
    tpu.vector_store %arg5[%swap3A_312], %gather3A_311 {strides = array<i32>} : memref<128xf32, #tpu.memory_space<vmem>>, vector<16xf32>,
    %iota3A_314 = tpu.iota {dimensions = array<i32: 0>} : vector<16xi32>
    %add3A_315 = arith.constant 48 : i32
    %add3A_316 = vector.broadcast %add3A_315 : i32 to vector<16xi32>
    %add3A_317 = arith.addi %iota3A_314, %add3A_316 : vector<16xi32>
    %gather3A_318 = arith.constant 1 : i32
    %gather3A_319 = arith.constant 0 : i32
    %gather3A_320 = arith.constant 0 : i32
    %gather3A_321 = tpu.memref_slice %arg4[%gather3A_318, %gather3A_319, %gather3A_320] : memref<2x64x128xf32, #tpu.memory_space<vmem>> -> memref<1x64x128xf32, #tpu.memory_space<vmem>>
    %gather3A_322 = tpu.memref_squeeze %gather3A_321 : memref<1x64x128xf32, #tpu.memory_space<vmem>> -> memref<64x128xf32, #tpu.memory_space<vmem>>
    %gather3A_323 = tpu.vector_load_idx %gather3A_322[%add3A_317, %broadcast_in_dim3A_277] : memref<64x128xf32, #tpu.memory_space<vmem>>[vector<16xi32>, vector<16xi32>], vector<16xf32>,
    %swap3A_324 = arith.constant 112 : index
    %swap3A_325 = tpu.vector_load %arg5[%swap3A_324] {strides = array<i32>} : memref<128xf32, #tpu.memory_space<vmem>>, vector<16xf32>,
    tpu.vector_store %arg5[%swap3A_324], %gather3A_323 {strides = array<i32>} : memref<128xf32, #tpu.memory_space<vmem>>, vector<16xf32>,
    %mul3A_326 = arith.constant 64 : i32
    %mul3A_327 = arith.muli %mul3A_2, %mul3A_326 : i32
    "tpu.region"() ({
      %run_scoped3A = tpu.sem_alloc : memref<!tpu.dma_semaphore, #tpu.memory_space<semaphore_mem>>
      %dma_start3A_328 = tpu.memref_slice %arg3[%mul3A_327] : memref<4096xf32, #tpu.memory_space<hbm>> -> memref<128xf32, #tpu.memory_space<hbm>>
      %dma_start3A_329 = tpu.memref_slice %arg3[%mul3A_327] : memref<4096xf32, #tpu.memory_space<hbm>> -> memref<128xf32, #tpu.memory_space<hbm>>
      tpu.enqueue_dma source(%arg5 : memref<128xf32, #tpu.memory_space<vmem>>) target(%dma_start3A_329 : memref<128xf32, #tpu.memory_space<hbm>>) target_semaphore(%run_scoped3A : memref<!tpu.dma_semaphore, #tpu.memory_space<semaphore_mem>>)
      %dma_wait3A_330 = tpu.memref_slice %arg3[%mul3A_327] : memref<4096xf32, #tpu.memory_space<hbm>> -> memref<128xf32, #tpu.memory_space<hbm>>
      %dma_wait3A_331 = tpu.memref_slice %arg3[%mul3A_327] : memref<4096xf32, #tpu.memory_space<hbm>> -> memref<128xf32, #tpu.memory_space<hbm>>
      tpu.wait_dma2 semaphore(%run_scoped3A : memref<!tpu.dma_semaphore, #tpu.memory_space<semaphore_mem>>) src(%arg5 : memref<128xf32, #tpu.memory_space<vmem>>) dst(%dma_wait3A_331 : memref<128xf32, #tpu.memory_space<hbm>>)
      tpu.yield
    }) : () -> ()
    return
  }
}

</mosaic_0001>

<sc_bundles>
// kernel: kernel.3.cloned.1.call-start
scs
__scs_entry_jumppad:
0x0: {  	(pc) =	sbr.rel $0x88, $3  }
0x1: {  	(tag) =	ssettag $0x0;
	lr =	simm.s32 $0x1  }
0x2: {  	[smem:$0x3FA0] =	sst lr;
	_ =	strace $0xD0000000  }
0x3: {  	_ = 	snop  }
0x4: {  	_ = 	snop  }
0x5: {  	_ = 	snop  }
0x6: {  	_ = 	snop  }
0x7: {  	_ = 	snop  }
__scs_overlays_trampoline_lowered:
0x8: {  	[smem:$0x3FAF] =	sst s0  }
0x9: {  	[smem:$0x3FB0] =	sst s1  }
0xa: {  	[smem:$0x3FB1] =	sst s2  }
0xb: {  	[smem:$0x3FB2] =	sst s3  }
0xc: {  	[smem:$0x3FB3] =	sst s4  }
0xd: {  	[smem:$0x3FB4] =	sst s5  }
0xe: {  	[smem:$0x3FB5] =	sst s6  }
0xf: {  	[smem:$0x3FB6] =	sst s7  }
0x10: {  	[smem:$0x3FB7] =	sst s8  }
0x11: {  	[smem:$0x3FB8] =	sst s9;
	s0 =	simm.s32 @!p0 $0x0  }
0x12: {  	s1 =	sld [smem:$0x3F9E];
	s0 =	simm.s32 @p0 $0x1  }
0x13: {  	[smem:$0x3FB9] =	sst s0;
	s0 =	simm.s32 @!p1 $0x0  }
0x14: {  	s2 =	sld [smem:$0x3F9D];
	s0 =	simm.s32 @p1 $0x1  }
0x15: {  	[smem:$0x3FBA] =	sst s0;
	s0 =	simm.s32 @!p2 $0x0  }
0x16: {  	s3 =	sld [smem:$0x3FDB];
	s0 =	simm.s32 @p2 $0x1  }
0x17: {  	s4 =	simm.s32 $0x1BF5;
	[smem:$0x3FBC] =	sst s0  }
0x18: {  	s0 =	sld [smem:$0x3F9F];
	_ =	swait.ge [sflag:s4], $0x0  }
0x19: {  	s7 =	sld [smem:$0x3FA0]  }
0x1a: {  	s8 =	sadd.s32 $0xFFFFE003, lr  }
0x1b: {  	s9 =	sadd.s32 $0xFFFFFEF7, lr;
	s5 =	simm.s32 $0xFFFFFFFF;
	p2 =	slt.u32 s8, $0xFFFFF086  }
0x1c: {  	p1 =	slt.u32 s9, $0xF7A;
	s5 =	simm.s32 @!p2 $0x0  }
0x1d: {  	s5 =	simm.s32 @p1 $0x1;
	p0 =	seq.s32 s7, s2  }
0x1e: {  	s7 =	smul.u32 @!p0 $0xF7A, s2;
	p2 =	seq.s32 @!p0 s5, $0x0  }
0x1f: {  	s9 =	smul.u32 $0xF7A, s1;
	s8 =	simm.s32 @!p0 $0x1BF5;
	p2 =	por !p2, p0  }
0x20: {  	[sflag:s8] =	ssyncset.s32 @!p0 $0xFFFFF086;
	s6 =	sadd.s32 @!p0 s3, s7;
	s7 =	simm.s32 @!p0 $0x108  }
0x21: {  	s3 =	sadd.s32 s3, s9;
	s6 =	sadd.s32 @!p0 $0x88, s6;
	s7 =	simm.s32 @p2 $0x1082  }
0x22: {  	[simem:s7], [sflag:s8] =	dma.local @!p0 [hbm:s6], $0xF7A  }
0x23: {  	s9 =	sor.u32 $0xD0000000, s2;
	s6 =	simm.s32 $0x108;
	_ =	swait.ge @!p0 [sflag:s8], $0x0  }
0x24: {  	s3 =	sadd.s32 $0x88, s3;
	s6 =	simm.s32 @!p1 $0x1082;
	[sflag:s4] =	ssyncset.s32 $0xFFFFF086  }
0x25: {  	[simem:s6], [sflag:s4] =	dma.local [hbm:s3], $0xF7A  }
0x26: {  	[smem:$0x3FA0] =	sst s1;
	(tag) =	ssettag s2;
	_ =	strace s9  }
0x27: {  	s1 =	sld [smem:$0x3FB0]  }
0x28: {  	s2 =	sld [smem:$0x3FB1]  }
0x29: {  	s4 =	sld [smem:$0x3FB3]  }
0x2a: {  	p0 =	seq.s32 s5, $0x0;
	s5 =	sld [smem:$0x3FB4]  }
0x2b: {  	s6 =	sld [smem:$0x3FB5]  }
0x2c: {  	s7 =	sld [smem:$0x3FB6]  }
0x2d: {  	s3 =	simm.s32 $0x108;
	s8 =	sld [smem:$0x3FB7]  }
0x2e: {  	s3 =	simm.s32 @!p0 $0x1082;
	s9 =	sld [smem:$0x3FB8]  }
0x2f: {  	lr =	sadd.s32 s0, s3;
	s0 =	sld [smem:$0x3FAF]  }
0x30: {  	s3 =	sld [smem:$0x3FB2]  }
0x31: {  	[smem:$0x3FBB] =	sst s10  }
0x32: {  	s10 =	sld [smem:$0x3FB9];
	_ =	sdelay $0x3  }
0x33: {  	p0 =	seq.s32 s10, $0x1;
	s10 =	sld [smem:$0x3FBB];
	_ =	sdelay $0x3  }
0x34: {  	[smem:$0x3FBB] =	sst s10  }
0x35: {  	s10 =	sld [smem:$0x3FBA];
	_ =	sdelay $0x3  }
0x36: {  	p1 =	seq.s32 s10, $0x1;
	s10 =	sld [smem:$0x3FBB];
	_ =	sdelay $0x3  }
0x37: {  	[smem:$0x3FBB] =	sst s10  }
0x38: {  	s10 =	sld [smem:$0x3FBC]  }
0x39: {  	_ = 	snop;
	(pc) =	sbr.ind lr, $3  }
0x3a: {  	_ = 	snop  }
0x3b: {  	_ = 	snop  }
0x3c: {  	p2 =	seq.s32 s10, $0x1;
	s10 =	sld [smem:$0x3FBB]  }
0x3d: {  	_ =	shalt  }
0x3e: {  	_ =	shalt  }
0x3f: {  	_ =	shalt  }
0x40: {  	_ =	shalt  }
0x41: {  	_ =	shalt  }
0x42: {  	_ =	shalt  }
0x43: {  	_ =	shalt  }
0x44: {  	_ =	shalt  }
0x45: {  	_ =	shalt  }
0x46: {  	_ =	shalt  }
0x47: {  	_ =	shalt  }
0x48: {  	_ =	shalt  }
0x49: {  	_ =	shalt  }
0x4a: {  	_ =	shalt  }
0x4b: {  	_ =	shalt  }
0x4c: {  	_ =	shalt  }
0x4d: {  	_ =	shalt  }
0x4e: {  	_ =	shalt  }
0x4f: {  	_ =	shalt  }
0x50: {  	_ =	shalt  }
0x51: {  	_ =	shalt  }
0x52: {  	_ =	shalt  }
0x53: {  	_ =	shalt  }
0x54: {  	_ =	shalt  }
0x55: {  	_ =	shalt  }
0x56: {  	_ =	shalt  }
0x57: {  	_ =	shalt  }
0x58: {  	_ =	shalt  }
0x59: {  	_ =	shalt  }
0x5a: {  	_ =	shalt  }
0x5b: {  	_ =	shalt  }
0x5c: {  	_ =	shalt  }
0x5d: {  	_ =	shalt  }
0x5e: {  	_ =	shalt  }
0x5f: {  	_ =	shalt  }
0x60: {  	_ =	shalt  }
0x61: {  	_ =	shalt  }
0x62: {  	_ =	shalt  }
0x63: {  	_ =	shalt  }
0x64: {  	_ =	shalt  }
0x65: {  	_ =	shalt  }
0x66: {  	_ =	shalt  }
0x67: {  	_ =	shalt  }
0x68: {  	_ =	shalt  }
0x69: {  	_ =	shalt  }
0x6a: {  	_ =	shalt  }
0x6b: {  	_ =	shalt  }
0x6c: {  	_ =	shalt  }
0x6d: {  	_ =	shalt  }
0x6e: {  	_ =	shalt  }
0x6f: {  	_ =	shalt  }
0x70: {  	_ =	shalt  }
0x71: {  	_ =	shalt  }
0x72: {  	_ =	shalt  }
0x73: {  	_ =	shalt  }
0x74: {  	_ =	shalt  }
0x75: {  	_ =	shalt  }
0x76: {  	_ =	shalt  }
0x77: {  	_ =	shalt  }
0x78: {  	_ =	shalt  }
0x79: {  	_ =	shalt  }
0x7a: {  	_ =	shalt  }
0x7b: {  	_ =	shalt  }
0x7c: {  	_ =	shalt  }
0x7d: {  	_ =	shalt  }
0x7e: {  	_ =	shalt  }
0x7f: {  	_ =	shalt  }
0x80: {  	_ =	shalt  }
0x81: {  	_ =	shalt  }
0x82: {  	_ =	shalt  }
0x83: {  	_ =	shalt  }
0x84: {  	_ =	shalt  }
0x85: {  	_ =	shalt  }
0x86: {  	_ =	shalt  }
0x87: {  	_ =	shalt  }
.Lfunc_end0:
.L_simem_size_0:
called_computation_lowered:
.L_overlay_start_0:
0x88: {  	s2 =	sld [smem:$0x3FD9]  }
0x89: {  	s3 =	sld [smem:$0x3FFE];
	_ =	sdelay $0x1  }
0x8a: {  	s1 =	srdreg.scid  }
0x8b: {  	s0 =	sand.u32 $0x1, s1  }
0x8c: {  	s17 =	sshll.u32 s0, $0xA;
	s2 =	sadd.s32 s3, s2  }
0x8d: {  	s2 =	sadd.s32 s2, s17  }
0x8e: {  	[smem:$0x3FC7] =	sst s2  }
0x8f: {  	_ = 	snop  }
0x90: {  	s2 =	sld [smem:$0x3FC9];
	(tm) =	ssettm $0x1  }
0x91: {  	s18 =	sld [smem:$0x3FFB];
	_ =	sdelay $0x3  }
0x92: {  	_ =	strace s18  }
0x93: {  	s3 =	sld [smem:$0x3FFC];
	_ =	sdelay $0x3  }
0x94: {  	_ =	strace s3  }
0x95: {  	s3 =	sld [smem:$0x3FFD];
	_ =	sdelay $0x3  }
0x96: {  	_ =	strace s3  }
0x97: {  	_ =	strace $0x8FFFFFFF  }
0x98: {  	s19 =	sld [smem:$0x3FDB];
	_ =	sdelay $0x1  }
0x99: {  	s4 =	simm.s32 $_scs_section_size  }
0x9a: {  	s5 =	simm.s32 $_size__tile_overlayer_lowered;
	s6 =	simm.s32 $_tile_overlayer_lowered  }
0x9b: {  	s22 =	simm.s32 $0x1BFF;
	s21 =	sshll.u32 s6, $0x1;
	s3 =	sadd.s32 s4, s19  }
0x9c: {  	s7 =	simm.s32 $0x0;
	s20 =	sshll.u32 s5, $0x1;
	s5 =	sadd.s32 s21, s3  }
0x9d: {  	[timem:s7], [sflag:s22] =	dma.local [hbm:s5], s20  }
0x9e: {  	_ =	swait.ge [sflag:s22], s20  }
0x9f: {  	s4 =	ssub.s32 $0x0, s20;
	[sflag:s22] =	ssyncset.done $0x0  }
0xa0: {  	[sflag:s22] =	ssyncadd.s32 s4;
	_ =	sdelay $0x1  }
0xa1: {  	s23 =	simm.s32 $0x1B8B  }
0xa2: {  	_ =	swait.ge [sflag:s23], $0x1  }
0xa3: {  	[sflag:s23] =	ssyncset.done $0x0  }
0xa4: {  	s25 =	simm.s32 $0x1B8E;
	s24 =	sld [smem:$0x3FFE];
	[sflag:s23] =	ssyncadd.s32 $0xFFFFFFFF  }
0xa5: {  	s26 =	simm.s32 $execute0_lowered;
	[smem:$0x3FD2] =	sst s25  }
0xa6: {  	s5 =	sshll.u32 s26, $0x1;
	_ =	strace $0x80000046;
	[dreg:$0x1] =	wrdreg $0xFFFFFFFF  }
0xa7: {  	s28 =	simm.s32 $_size_execute0_lowered;
	s3 =	sadd.s32 s3, s5;
	[dreg:$0x0] =	wrdreg $0x0  }
0xa8: {  	s5 =	sshll.u32 s28, $0x1;
	[dreg:$0x2] =	wrdreg s3  }
0xa9: {  	[dreg:$0x3] =	wrdreg s5  }
0xaa: {  	[dreg:$0x4] =	wrdreg $0xC0  }
0xab: {  	_ =	task [dreg:s7], $0x5FFFF  }
0xac: {  	[dreg:$0x1] =	wrdreg $0xFFFFFFFF  }
0xad: {  	[dreg:$0x0] =	wrdreg $0x60  }
0xae: {  	[dreg:$0x2] =	wrdreg s2  }
0xaf: {  	[dreg:$0x3] =	wrdreg s24  }
0xb0: {  	[dreg:$0x4] =	wrdreg $0x9  }
0xb1: {  	_ =	task.clear_ibuf [dreg:s7], $0x5FFFF;
	_ =	strace $0x90000046  }
0xb2: {  	s29 =	simm.s32 $0x9;
	_ =	strace $0x80000048  }
0xb3: {  	_ =	swait.ge [sflag:s29], $0x1  }
0xb4: {  	[sflag:s29] =	ssyncadd.s32 $0xFFFFFFFF  }
0xb5: {  	_ =	strace $0x90000048  }
0xb6: {  	_ =	sfence  }
0xb7: {  	s30 =	sld [smem:$0x0];
	_ =	sdelay $0x2  }
0xb8: {  	s31 =	sshll.u32 s1, $0xD;
	s1 =	sshrl.u32 s1, $0x2  }
0xb9: {  	s3 =	sand.u32 $0x4000, s31;
	s1 =	sadd.s32 s1, s30  }
0xba: {  	s0 =	sor.u32 s3, s0;
	s1 =	sshll.u32 s1, $0x11  }
0xbb: {  	s0 =	sor.u32 s1, s0  }
0xbc: {  	s0 =	sadd.s32 $0x8F2B, s0  }
0xbd: {  	[sflag:s0] =	ssyncadd.remote.s32 $0x1  }
0xbe: {  	_ =	sfence.sel $0xFFFF  }
0xbf: {  	[dreg:$0x0] =	wrdreg $0xFFFFFFFF;
	(pc) =	sbr.abs _section_cstart, $3  }
0xc0: {  	[dreg:$0x1] =	wrdreg $0xFFFFFFFF  }
0xc1: {  	_ =	task.clear_ibuf [dreg:s7], $0x2FFFF;
	_ =	strace $0x9FFFFFFF  }
0xc2: {  	(tm) =	ssettm $0x7FFFFFFF  }
0xc3: {  	_ =	shalt  }
tec
execute0_lowered:
.L_overlay_start_1:
0x0: {  	(tag) =	ssettag $0x1  }
0x1: {  	s1 =	srdreg.scid;
	s0 =	stileid.u32  }
0x2: {  	s9 =	sand.u32 $0x1, s1;
	s29 =	sshll.u32 s0, $0x1  }
0x3: {  	s6 =	rddreg [dreg:$0x0];
	s11 =	sor.u32 s9, s29  }
0x4: {  	s10 =	rddreg [dreg:$0x1];
	s2 =	simm.s32 $0x0;
	s7 =	smul.u32 $0x7A12, s11  }
0x5: {  	s4 =	simm.s32 $0x400;
	s5 =	simm.s32 $0x7A1400;
	s1 =	rddreg [dreg:$0x2]  }
0x6: {  	[smem:$0x7FF] =	sst s2;
	s12 =	sadd.s32 $0x3D09, s7;
	s3 =	sand.u32 $0xFFF80, s7  }
0x7: {  	_ =	strace $0x80000047;
	s8 =	sand.u32 $0x1FFF80, s12;
	s3 =	sadd.s32 s6, s3  }
0x8: {  	v0 =	vmov s7;
	[tilespmem:s2], [sflag:$0x1] =	stream.strided.gather [hbm4b:s3+s4], $0x2000, s5, s4, $0x38;
	[tilespmem:$0x4080] =	vst v63  }
0x9: {  	v1 =	vlaneseq.u32;
	s7 =	simm.s32 $0x2000;
	v0 =	vand.u32 $0x7E, v0;
	s6 =	sadd.s32 s6, s8;
	s8 =	simm.s32 $0x1  }
0xa: {  	v4 =	vmul.u32 $0x80, v1;
	v3 =	vbroadcast v0, $0x0;
	[tilespmem:s7], [sflag:$0x1] =	stream.strided.gather [hbm4b:s6+s4], $0x2000, s5, s4, $0x38;
	[tilespmem:$0x4080] =	vst v63  }
0xb: {  	_ =	swait.ge [sflag:s8], $0x2000  }
0xc: {  	v0 =	vor.u32 v4, v3;
	[sflag:s8] =	ssyncset.done $0x0  }
0xd: {  	[sflag:s8] =	ssyncadd.s32 $0xFFFFE000  }
0xe: {  	_ =	swait.ge [sflag:s8], $0x2000  }
0xf: {  	[sflag:s8] =	ssyncset.done $0x0  }
0x10: {  	[sflag:s8] =	ssyncadd.s32 $0xFFFFE000  }
0x11: {  	v5 =	vor.u32 $0x800, v4;
	v2 =	vld.idx.msk [tilespmem:v0+s2+$0x0], $0xffff  }
0x12: {  	v1 =	vor.u32 v5, v3;
	_ =	sdelay $0x3  }
0x13: {  	[tilespmem:$0x4000] =	vst v2  }
0x14: {  	v6 =	vor.u32 $0x1000, v4;
	v7 =	vld.idx.msk [tilespmem:v1+s2+$0x0], $0xffff  }
0x15: {  	v2 =	vor.u32 v6, v3;
	_ =	sdelay $0x3  }
0x16: {  	[tilespmem:$0x4010] =	vst v7  }
0x17: {  	v7 =	vor.u32 $0x1800, v4;
	v8 =	vld.idx.msk [tilespmem:v2+s2+$0x0], $0xffff  }
0x18: {  	v3 =	vor.u32 v7, v3;
	_ =	sdelay $0x1  }
0x19: {  	v9 =	vmov s12  }
0x1a: {  	v9 =	vand.u32 $0x7F, v9  }
0x1b: {  	v9 =	vbroadcast v9, $0x0;
	[tilespmem:$0x4020] =	vst v8  }
0x1c: {  	v8 =	vld.idx.msk [tilespmem:v3+s2+$0x0], $0xffff  }
0x1d: {  	v4 =	vor.u32 v4, v9;
	_ =	sdelay $0x3  }
0x1e: {  	[tilespmem:$0x4030] =	vst v8  }
0x1f: {  	v8 =	vld.idx.msk [tilespmem:v4+s7+$0x0], $0xffff  }
0x20: {  	v5 =	vor.u32 v5, v9;
	_ =	sdelay $0x3  }
0x21: {  	[tilespmem:$0x4040] =	vst v8  }
0x22: {  	v8 =	vld.idx.msk [tilespmem:v5+s7+$0x0], $0xffff  }
0x23: {  	v6 =	vor.u32 v6, v9;
	_ =	sdelay $0x3  }
0x24: {  	[tilespmem:$0x4050] =	vst v8  }
0x25: {  	v8 =	vld.idx.msk [tilespmem:v6+s7+$0x0], $0xffff  }
0x26: {  	v7 =	vor.u32 v7, v9;
	_ =	sdelay $0x3  }
0x27: {  	s9 =	ssub.s32 $0x2, s9;
	[tilespmem:$0x4060] =	vst v8  }
0x28: {  	s11 =	sshll.u32 s11, $0x4;
	s30 =	sshrl.u32 s9, $0x1;
	v8 =	vld.idx.msk [tilespmem:v7+s7+$0x0], $0xffff  }
0x29: {  	s10 =	sadd.s32 s11, s10;
	s11 =	ssub.s32 s9, s30  }
0x2a: {  	s31 =	smax.u32 s11, $0x1  }
0x2b: {  	p0 =	sne.s32 s31, $0x1  }
.Ltmp0:
0x2c: {  	_ = 	snop;
	(pc) =	sbr.rel @!p0 .LBB2_2-.Ltmp0, $4  }
0x2d: {  	s9 =	sadd.s32 $0x400, s10;
	s11 =	simm.s32 $0x4000;
	s10 =	simm.s32 $0x2;
	[tilespmem:$0x4070] =	vst v8  }
0x2e: {  	[hbm4b:s9+s2] =	stream.linear.scatter [tilespmem:s11], [sflag:$0x2], $0x80, $0x38;
	[tilespmem:$0x4080] =	vst v63  }
0x2f: {  	_ =	swait.ge [sflag:s10], $0x80  }
0x30: {  	s12 =	sadd.s32 $0xFFFFFFFF, s31;
	[sflag:s10] =	ssyncset.done $0x0  }
.LBB2_1:
0x31: {  	p0 =	sne.s32 s12, $0x1;
	s12 =	sadd.s32 $0xFFFFFFFF, s12;
	[sflag:s10] =	ssyncadd.s32 $0xFFFFFF80  }
0x32: {  	[tilespmem:s2], [sflag:$0x1] =	stream.strided.gather [hbm4b:s3+s4], $0x2000, s5, s4, $0x38;
	[tilespmem:$0x4080] =	vst v63  }
0x33: {  	_ = 	snop  }
0x34: {  	[tilespmem:s7], [sflag:$0x1] =	stream.strided.gather [hbm4b:s6+s4], $0x2000, s5, s4, $0x38;
	[tilespmem:$0x4080] =	vst v63  }
0x35: {  	_ =	swait.ge [sflag:s8], $0x2000  }
0x36: {  	[sflag:s8] =	ssyncset.done $0x0  }
0x37: {  	[sflag:s8] =	ssyncadd.s32 $0xFFFFE000  }
0x38: {  	_ =	swait.ge [sflag:s8], $0x2000  }
0x39: {  	[sflag:s8] =	ssyncset.done $0x0  }
0x3a: {  	[sflag:s8] =	ssyncadd.s32 $0xFFFFE000  }
0x3b: {  	v8 =	vld.idx.msk [tilespmem:v0+s2+$0x0], $0xffff;
	_ =	sdelay $0x5  }
0x3c: {  	[tilespmem:$0x4000] =	vst v8  }
0x3d: {  	v8 =	vld.idx.msk [tilespmem:v1+s2+$0x0], $0xffff;
	_ =	sdelay $0x5  }
0x3e: {  	[tilespmem:$0x4010] =	vst v8  }
0x3f: {  	v8 =	vld.idx.msk [tilespmem:v2+s2+$0x0], $0xffff;
	_ =	sdelay $0x5  }
0x40: {  	[tilespmem:$0x4020] =	vst v8  }
0x41: {  	v8 =	vld.idx.msk [tilespmem:v3+s2+$0x0], $0xffff;
	_ =	sdelay $0x5  }
0x42: {  	[tilespmem:$0x4030] =	vst v8  }
0x43: {  	v8 =	vld.idx.msk [tilespmem:v4+s7+$0x0], $0xffff;
	_ =	sdelay $0x5  }
0x44: {  	[tilespmem:$0x4040] =	vst v8  }
0x45: {  	v8 =	vld.idx.msk [tilespmem:v5+s7+$0x0], $0xffff;
	_ =	sdelay $0x5  }
0x46: {  	[tilespmem:$0x4050] =	vst v8  }
0x47: {  	v8 =	vld.idx.msk [tilespmem:v6+s7+$0x0], $0xffff;
	_ =	sdelay $0x5  }
0x48: {  	[tilespmem:$0x4060] =	vst v8  }
0x49: {  	v8 =	vld.idx.msk [tilespmem:v7+s7+$0x0], $0xffff;
	_ =	sdelay $0x4  }
.Ltmp1:
0x4a: {  	(pc) =	sbr.rel @p0 .LBB2_1-.Ltmp1, $4  }
0x4b: {  	[tilespmem:$0x4070] =	vst v8  }
0x4c: {  	[hbm4b:s9+s2] =	stream.linear.scatter [tilespmem:s11], [sflag:$0x2], $0x80, $0x38;
	[tilespmem:$0x4080] =	vst v63  }
0x4d: {  	_ =	swait.ge [sflag:s10], $0x80  }
0x4e: {  	[sflag:s10] =	ssyncset.done $0x0  }
.LBB2_2:
0x4f: {  	[sflag:s10] =	ssyncadd.s32 $0xFFFFFF80  }
0x50: {  	_ =	sfence.sel $0x180000  }
0x51: {  	[bflag:$0x0] =	sbarrier.arrive $0xFFFF  }
0x52: {  	p0 =	sne.s32 s0, $0x0;
	_ =	strace $0x90000047  }
0x53: {  	s0 =	sadd.s32 @!p0 $0x100000, s1;
	[bflag:$0x2] =	sbarrier.arrive $0xFFFF  }
0x54: {  	[sflag:s0] =	ssyncadd.tile.s32 @!p0 $0x1;
	_ =	shalt  }
.Lfunc_end2:
_tile_overlayer_lowered:
.L_overlay_start_2:
0x55: {  	(tag) =	ssettag $0x2  }
0x56: {  	s0 =	rddreg [dreg:$0x0];
	s2 =	stileid.u32  }
0x57: {  	s1 =	rddreg [dreg:$0x1];
	p0 =	sne.s32 s2, $0x0  }
0x58: {  	s3 =	rddreg [dreg:$0x2];
	[bflag:$0x3] =	sbarrier.arrive $0xFFFF;
	s2 =	simm.s32 @!p0 $0x1C02  }
0x59: {  	[timem:s3], [sflag:s2] =	dma.local @!p0 [hbm:s0], s1  }
0x5a: {  	s0 =	simm.s32 @!p0 $0x2  }
0x5b: {  	_ =	swait.ge @!p0 [sflag:s0], s1  }
0x5c: {  	s1 =	ssub.s32 @!p0 $0x0, s1;
	[sflag:s0] =	ssyncset.done @!p0 $0x0  }
0x5d: {  	[sflag:s0] =	ssyncadd.s32 @!p0 s1  }
0x5e: {  	[bflag:$0x3] =	sbarrier.arrive $0xFFFF  }
0x5f: {  	_ =	shalt  }

</sc_bundles>
